<compile_context>
chip_gen: v7x
topology: tpu7x:2x2x1
jax: 0.10.2.dev20260603
libtpu: 0.0.44.dev20260713+nightly
codegen_flags: <defaults>
</compile_context>

<pallas_src>
import functools

import jax
import jax.numpy as jnp
from jax import lax
from jax.experimental import pallas as pl
from jax.experimental.pallas import tpu as pltpu
from jax.experimental.pallas import tpu_sc as plsc

NC = 2
NS = 16
NW = NC * NS

IDX_ROW = 128
ROWS_PER_CHUNK = 4
CHUNK = IDX_ROW * ROWS_PER_CHUNK

TBLK = 2048


@functools.lru_cache(maxsize=None)
def _make_tpose(d, n_entity):
    grid = (n_entity + TBLK - 1) // TBLK

    def body(t_ref, o_ref):
        o_ref[:, :d] = t_ref[...].T
        o_ref[:, d:] = jnp.zeros((TBLK, d), jnp.float32)

    return pl.pallas_call(
        body,
        grid=(grid,),
        in_specs=[pl.BlockSpec((d, TBLK), lambda j: (0, j))],
        out_specs=pl.BlockSpec((TBLK, 2 * d), lambda j: (j, 0)),
        out_shape=jax.ShapeDtypeStruct((n_entity, 2 * d), jnp.float32),
    )


@functools.lru_cache(maxsize=None)
def _make_gather(n_entity, d2, nk, nb):
    b_total = nk * nb
    assert b_total % (NW * CHUNK) == 0 and nb % CHUNK == 0
    chunks_per_w = b_total // (NW * CHUNK)
    chunks_per_k = nb // CHUNK

    mesh = plsc.VectorSubcoreMesh(core_axis_name="c", subcore_axis_name="s")

    @functools.partial(
        pl.kernel,
        mesh=mesh,
        out_type=jax.ShapeDtypeStruct((nk, nb, d2), jnp.float32),
        scratch_types=[
            pltpu.VMEM((ROWS_PER_CHUNK, IDX_ROW), jnp.int32),
            pltpu.VMEM((CHUNK, d2), jnp.float32),
            pltpu.SemaphoreType.DMA,
        ],
    )
    def k(table_hbm, idx_hbm, out_hbm, idx_v, rows_v, sem):
        wid = lax.axis_index("s") * NC + lax.axis_index("c")

        def body(ci, _):
            c = wid * chunks_per_w + ci
            kk = c // chunks_per_k
            i0 = (c % chunks_per_k) * CHUNK
            for j in range(ROWS_PER_CHUNK):
                pltpu.sync_copy(
                    idx_hbm.at[kk, pl.ds(i0 + j * IDX_ROW, IDX_ROW)],
                    idx_v.at[j],
                )
            descs = [
                pltpu.make_async_copy(
                    table_hbm.at[idx_v.at[j]],
                    rows_v.at[pl.ds(j * IDX_ROW, IDX_ROW)],
                    sem,
                )
                for j in range(ROWS_PER_CHUNK)
            ]
            for dsc in descs:
                dsc.start()
            for dsc in descs:
                dsc.wait()
            pltpu.sync_copy(rows_v, out_hbm.at[kk, pl.ds(i0, CHUNK)])
            return 0

        lax.fori_loop(0, chunks_per_w, body, 0)

    return k


def kernel(entity_table, entity_ids):
    n_entity, d = entity_table.shape
    nb, nk = entity_ids.shape
    t_pad = _make_tpose(d, n_entity)(entity_table.T)
    ids_t = entity_ids.T
    out_t = _make_gather(n_entity, 2 * d, nk, nb)(t_pad, ids_t)
    return jnp.transpose(out_t, (1, 0, 2))

# --- scband reference (transcript-rebuilt; emitter-appended) ---
"""Pipeline reference for scband-box-estimator-30391188586634 (READ-ONLY COPY).

The authoritative reference and input builder live on the scoring server;
editing this copy changes nothing except your own understanding.
"""

import jax, jax.numpy as jnp
import numpy as np

N_ENTITY = 1000000
ENTITY_DIM = 64
GAMMA = 24.0
EPSILON = 2.0

def setup_inputs(seed: int = 0) -> dict:
    key = jax.random.key(seed)
    k1, k2 = jax.random.split(key)
    emb_range = (GAMMA + EPSILON) / ENTITY_DIM
    entity_table = jax.random.uniform(k1, (N_ENTITY, ENTITY_DIM), jnp.float32, -emb_range, emb_range)
    entity_ids = jax.random.randint(k2, (16384, 20), 0, N_ENTITY, dtype=jnp.int32)
    return {"entity_table": entity_table, "entity_ids": entity_ids}

def reference(entity_table, entity_ids):
    # BoxEstimator.get_entity_embedding: center = embedding lookup; offset = zeros; concat.
    center_emb = jnp.take(entity_table, entity_ids, axis=0)
    offset_emb = jnp.zeros_like(center_emb)
    return jnp.concatenate([center_emb, offset_emb], axis=-1)

if __name__ == "__main__":
    import jax
    _d = setup_inputs()
    print(jax.jit(kernel)(*tuple(_d.values())))

</pallas_src>

<mosaic_0001>
#map = affine_map<(d0, d1) -> (0, 0)>
#map1 = affine_map<(d0, d1) -> (0, 0, 0)>
module attributes {stable_mosaic.version = 14 : i64} {
  func.func @k(%arg0: i32, %arg1: i32, %arg2: memref<1000000x128xf32, #tpu.memory_space<hbm>>, %arg3: memref<20x16384xi32, #tpu.memory_space<hbm>>, %arg4: memref<20x16384x128xf32, #tpu.memory_space<hbm>>, %arg5: memref<4x128xi32, #tpu.memory_space<vmem>>, %arg6: memref<512x128xf32, #tpu.memory_space<vmem>>, %arg7: memref<!tpu.dma_semaphore, #tpu.memory_space<semaphore_mem>>) attributes {dimension_semantics = [#tpu.dimension_semantics<core_parallel>, #tpu.dimension_semantics<subcore_parallel>], iteration_bounds = array<i64: 2, 16>, scalar_prefetch = 0 : i64, scratch_operands = 3 : i64, tpu.core_type = #tpu.core_type<sc_vector_subcore>, window_params = [{transform_indices = #map}, {transform_indices = #map}, {transform_indices = #map1}]} {
    %mul3A = arith.constant 2 : i32
    %mul3A_0 = arith.muli %arg1, %mul3A : i32
    %add3A = arith.addi %mul3A_0, %arg0 : i32
    %scan3A = arith.constant 0 : i32
    %scan3A_1 = arith.constant 0 : i32
    %scan3A_2 = arith.constant 20 : i32
    %scan3A_3 = arith.addi %scan3A_1, %scan3A_2 : i32
    %scan3A_4 = arith.constant 1 : i32
    %scan3A_5 = scf.for %scan3A_7 = %scan3A_1 to %scan3A_3 step %scan3A_4 iter_args(%scan3A_8 = %scan3A) -> (i32)  : i32 {
      %mul3A_9 = arith.constant 20 : i32
      %mul3A_10 = arith.muli %add3A, %mul3A_9 : i32
      %add3A_11 = arith.addi %mul3A_10, %scan3A_7 : i32
      %jit3A = arith.constant 32 : i32
      %div3A = arith.divsi %add3A_11, %jit3A : i32
      %sign3A = arith.constant 0 : i32
      %sign3A_12 = arith.cmpi sgt, %add3A_11, %sign3A : i32
      %sign3A_13 = arith.extui %sign3A_12 : i1 to i32
      %sign3A_14 = arith.constant 0 : i32
      %sign3A_15 = arith.cmpi slt, %add3A_11, %sign3A_14 : i32
      %sign3A_16 = arith.extui %sign3A_15 : i1 to i32
      %sign3A_17 = arith.subi %sign3A_13, %sign3A_16 : i32
      %sign3A_18 = arith.constant 0 : i32
      %sign3A_19 = arith.cmpi sgt, %jit3A, %sign3A_18 : i32
      %sign3A_20 = arith.extui %sign3A_19 : i1 to i32
      %sign3A_21 = arith.constant 0 : i32
      %sign3A_22 = arith.cmpi slt, %jit3A, %sign3A_21 : i32
      %sign3A_23 = arith.extui %sign3A_22 : i1 to i32
      %sign3A_24 = arith.subi %sign3A_20, %sign3A_23 : i32
      %ne3A = arith.cmpi ne, %sign3A_17, %sign3A_24 : i32
      %rem3A = arith.remsi %add3A_11, %jit3A : i32
      %ne3A_25 = arith.constant 0 : i32
      %ne3A_26 = arith.cmpi ne, %rem3A, %ne3A_25 : i32
      %and3A = arith.andi %ne3A, %ne3A_26 : i1
      %sub3A = arith.constant 1 : i32
      %sub3A_27 = arith.subi %div3A, %sub3A : i32
      %select_n3A = arith.select %and3A, %sub3A_27, %div3A : i32
      %jit3A_28 = arith.constant 32 : i32
      %eq3A = arith.constant 0 : i32
      %eq3A_29 = arith.cmpi eq, %jit3A_28, %eq3A : i32
      %jit3A_30 = arith.constant 1 : i32
      %select_n3A_31 = arith.select %eq3A_29, %jit3A_30, %jit3A_28 : i32
      %rem3A_32 = arith.remsi %add3A_11, %select_n3A_31 : i32
      %ne3A_33 = arith.constant 0 : i32
      %ne3A_34 = arith.cmpi ne, %rem3A_32, %ne3A_33 : i32
      %lt3A = arith.constant 0 : i32
      %lt3A_35 = arith.cmpi slt, %rem3A_32, %lt3A : i32
      %lt3A_36 = arith.constant 0 : i32
      %lt3A_37 = arith.cmpi slt, %select_n3A_31, %lt3A_36 : i32
      %ne3A_38 = arith.xori %lt3A_35, %lt3A_37 : i1
      %and3A_39 = arith.andi %ne3A_38, %ne3A_34 : i1
      %add3A_40 = arith.addi %rem3A_32, %select_n3A_31 : i32
      %select_n3A_41 = arith.select %and3A_39, %add3A_40, %rem3A_32 : i32
      %mul3A_42 = arith.constant 512 : i32
      %mul3A_43 = arith.muli %select_n3A_41, %mul3A_42 : i32
      %add3A_44 = arith.constant 0 : i32
      %add3A_45 = arith.addi %mul3A_43, %add3A_44 : i32
      %run_scoped3A = arith.constant 0 : i32
      "tpu.region"() ({
        %run_scoped3A_134 = tpu.sem_alloc : memref<!tpu.dma_semaphore, #tpu.memory_space<semaphore_mem>>
        %dma_start3A_135 = arith.constant 0 : i32
        %dma_start3A_136 = tpu.memref_slice %arg5[%run_scoped3A, %dma_start3A_135] : memref<4x128xi32, #tpu.memory_space<vmem>> -> memref<1x128xi32, #tpu.memory_space<vmem>>
        %dma_start3A_137 = tpu.memref_squeeze %dma_start3A_136 : memref<1x128xi32, #tpu.memory_space<vmem>> -> memref<128xi32, #tpu.memory_space<vmem>>
        %dma_start3A_138 = tpu.memref_slice %arg3[%select_n3A, %add3A_45] : memref<20x16384xi32, #tpu.memory_space<hbm>> -> memref<1x128xi32, #tpu.memory_space<hbm>>
        %dma_start3A_139 = tpu.memref_squeeze %dma_start3A_138 : memref<1x128xi32, #tpu.memory_space<hbm>> -> memref<128xi32, #tpu.memory_space<hbm>>
        %dma_start3A_140 = arith.constant 0 : i32
        %dma_start3A_141 = tpu.memref_slice %arg5[%run_scoped3A, %dma_start3A_140] : memref<4x128xi32, #tpu.memory_space<vmem>> -> memref<1x128xi32, #tpu.memory_space<vmem>>
        %dma_start3A_142 = tpu.memref_squeeze %dma_start3A_141 : memref<1x128xi32, #tpu.memory_space<vmem>> -> memref<128xi32, #tpu.memory_space<vmem>>
        %dma_start3A_143 = tpu.memref_slice %arg3[%select_n3A, %add3A_45] : memref<20x16384xi32, #tpu.memory_space<hbm>> -> memref<1x128xi32, #tpu.memory_space<hbm>>
        %dma_start3A_144 = tpu.memref_squeeze %dma_start3A_143 : memref<1x128xi32, #tpu.memory_space<hbm>> -> memref<128xi32, #tpu.memory_space<hbm>>
        tpu.enqueue_dma source(%dma_start3A_144 : memref<128xi32, #tpu.memory_space<hbm>>) target(%dma_start3A_142 : memref<128xi32, #tpu.memory_space<vmem>>) target_semaphore(%run_scoped3A_134 : memref<!tpu.dma_semaphore, #tpu.memory_space<semaphore_mem>>)
        %dma_wait3A_145 = arith.constant 0 : i32
        %dma_wait3A_146 = tpu.memref_slice %arg5[%run_scoped3A, %dma_wait3A_145] : memref<4x128xi32, #tpu.memory_space<vmem>> -> memref<1x128xi32, #tpu.memory_space<vmem>>
        %dma_wait3A_147 = tpu.memref_squeeze %dma_wait3A_146 : memref<1x128xi32, #tpu.memory_space<vmem>> -> memref<128xi32, #tpu.memory_space<vmem>>
        %dma_wait3A_148 = tpu.memref_slice %arg3[%select_n3A, %add3A_45] : memref<20x16384xi32, #tpu.memory_space<hbm>> -> memref<1x128xi32, #tpu.memory_space<hbm>>
        %dma_wait3A_149 = tpu.memref_squeeze %dma_wait3A_148 : memref<1x128xi32, #tpu.memory_space<hbm>> -> memref<128xi32, #tpu.memory_space<hbm>>
        %dma_wait3A_150 = arith.constant 0 : i32
        %dma_wait3A_151 = tpu.memref_slice %arg5[%run_scoped3A, %dma_wait3A_150] : memref<4x128xi32, #tpu.memory_space<vmem>> -> memref<1x128xi32, #tpu.memory_space<vmem>>
        %dma_wait3A_152 = tpu.memref_squeeze %dma_wait3A_151 : memref<1x128xi32, #tpu.memory_space<vmem>> -> memref<128xi32, #tpu.memory_space<vmem>>
        %dma_wait3A_153 = tpu.memref_slice %arg3[%select_n3A, %add3A_45] : memref<20x16384xi32, #tpu.memory_space<hbm>> -> memref<1x128xi32, #tpu.memory_space<hbm>>
        %dma_wait3A_154 = tpu.memref_squeeze %dma_wait3A_153 : memref<1x128xi32, #tpu.memory_space<hbm>> -> memref<128xi32, #tpu.memory_space<hbm>>
        tpu.wait_dma2 semaphore(%run_scoped3A_134 : memref<!tpu.dma_semaphore, #tpu.memory_space<semaphore_mem>>) src(%dma_wait3A_154 : memref<128xi32, #tpu.memory_space<hbm>>) dst(%dma_wait3A_152 : memref<128xi32, #tpu.memory_space<vmem>>)
        tpu.yield
      }) : () -> ()
      %add3A_46 = arith.constant 128 : i32
      %add3A_47 = arith.addi %mul3A_43, %add3A_46 : i32
      %run_scoped3A_48 = arith.constant 1 : i32
      "tpu.region"() ({
        %run_scoped3A_134 = tpu.sem_alloc : memref<!tpu.dma_semaphore, #tpu.memory_space<semaphore_mem>>
        %dma_start3A_135 = arith.constant 0 : i32
        %dma_start3A_136 = tpu.memref_slice %arg5[%run_scoped3A_48, %dma_start3A_135] : memref<4x128xi32, #tpu.memory_space<vmem>> -> memref<1x128xi32, #tpu.memory_space<vmem>>
        %dma_start3A_137 = tpu.memref_squeeze %dma_start3A_136 : memref<1x128xi32, #tpu.memory_space<vmem>> -> memref<128xi32, #tpu.memory_space<vmem>>
        %dma_start3A_138 = tpu.memref_slice %arg3[%select_n3A, %add3A_47] : memref<20x16384xi32, #tpu.memory_space<hbm>> -> memref<1x128xi32, #tpu.memory_space<hbm>>
        %dma_start3A_139 = tpu.memref_squeeze %dma_start3A_138 : memref<1x128xi32, #tpu.memory_space<hbm>> -> memref<128xi32, #tpu.memory_space<hbm>>
        %dma_start3A_140 = arith.constant 0 : i32
        %dma_start3A_141 = tpu.memref_slice %arg5[%run_scoped3A_48, %dma_start3A_140] : memref<4x128xi32, #tpu.memory_space<vmem>> -> memref<1x128xi32, #tpu.memory_space<vmem>>
        %dma_start3A_142 = tpu.memref_squeeze %dma_start3A_141 : memref<1x128xi32, #tpu.memory_space<vmem>> -> memref<128xi32, #tpu.memory_space<vmem>>
        %dma_start3A_143 = tpu.memref_slice %arg3[%select_n3A, %add3A_47] : memref<20x16384xi32, #tpu.memory_space<hbm>> -> memref<1x128xi32, #tpu.memory_space<hbm>>
        %dma_start3A_144 = tpu.memref_squeeze %dma_start3A_143 : memref<1x128xi32, #tpu.memory_space<hbm>> -> memref<128xi32, #tpu.memory_space<hbm>>
        tpu.enqueue_dma source(%dma_start3A_144 : memref<128xi32, #tpu.memory_space<hbm>>) target(%dma_start3A_142 : memref<128xi32, #tpu.memory_space<vmem>>) target_semaphore(%run_scoped3A_134 : memref<!tpu.dma_semaphore, #tpu.memory_space<semaphore_mem>>)
        %dma_wait3A_145 = arith.constant 0 : i32
        %dma_wait3A_146 = tpu.memref_slice %arg5[%run_scoped3A_48, %dma_wait3A_145] : memref<4x128xi32, #tpu.memory_space<vmem>> -> memref<1x128xi32, #tpu.memory_space<vmem>>
        %dma_wait3A_147 = tpu.memref_squeeze %dma_wait3A_146 : memref<1x128xi32, #tpu.memory_space<vmem>> -> memref<128xi32, #tpu.memory_space<vmem>>
        %dma_wait3A_148 = tpu.memref_slice %arg3[%select_n3A, %add3A_47] : memref<20x16384xi32, #tpu.memory_space<hbm>> -> memref<1x128xi32, #tpu.memory_space<hbm>>
        %dma_wait3A_149 = tpu.memref_squeeze %dma_wait3A_148 : memref<1x128xi32, #tpu.memory_space<hbm>> -> memref<128xi32, #tpu.memory_space<hbm>>
        %dma_wait3A_150 = arith.constant 0 : i32
        %dma_wait3A_151 = tpu.memref_slice %arg5[%run_scoped3A_48, %dma_wait3A_150] : memref<4x128xi32, #tpu.memory_space<vmem>> -> memref<1x128xi32, #tpu.memory_space<vmem>>
        %dma_wait3A_152 = tpu.memref_squeeze %dma_wait3A_151 : memref<1x128xi32, #tpu.memory_space<vmem>> -> memref<128xi32, #tpu.memory_space<vmem>>
        %dma_wait3A_153 = tpu.memref_slice %arg3[%select_n3A, %add3A_47] : memref<20x16384xi32, #tpu.memory_space<hbm>> -> memref<1x128xi32, #tpu.memory_space<hbm>>
        %dma_wait3A_154 = tpu.memref_squeeze %dma_wait3A_153 : memref<1x128xi32, #tpu.memory_space<hbm>> -> memref<128xi32, #tpu.memory_space<hbm>>
        tpu.wait_dma2 semaphore(%run_scoped3A_134 : memref<!tpu.dma_semaphore, #tpu.memory_space<semaphore_mem>>) src(%dma_wait3A_154 : memref<128xi32, #tpu.memory_space<hbm>>) dst(%dma_wait3A_152 : memref<128xi32, #tpu.memory_space<vmem>>)
        tpu.yield
      }) : () -> ()
      %add3A_49 = arith.constant 256 : i32
      %add3A_50 = arith.addi %mul3A_43, %add3A_49 : i32
      %run_scoped3A_51 = arith.constant 2 : i32
      "tpu.region"() ({
        %run_scoped3A_134 = tpu.sem_alloc : memref<!tpu.dma_semaphore, #tpu.memory_space<semaphore_mem>>
        %dma_start3A_135 = arith.constant 0 : i32
        %dma_start3A_136 = tpu.memref_slice %arg5[%run_scoped3A_51, %dma_start3A_135] : memref<4x128xi32, #tpu.memory_space<vmem>> -> memref<1x128xi32, #tpu.memory_space<vmem>>
        %dma_start3A_137 = tpu.memref_squeeze %dma_start3A_136 : memref<1x128xi32, #tpu.memory_space<vmem>> -> memref<128xi32, #tpu.memory_space<vmem>>
        %dma_start3A_138 = tpu.memref_slice %arg3[%select_n3A, %add3A_50] : memref<20x16384xi32, #tpu.memory_space<hbm>> -> memref<1x128xi32, #tpu.memory_space<hbm>>
        %dma_start3A_139 = tpu.memref_squeeze %dma_start3A_138 : memref<1x128xi32, #tpu.memory_space<hbm>> -> memref<128xi32, #tpu.memory_space<hbm>>
        %dma_start3A_140 = arith.constant 0 : i32
        %dma_start3A_141 = tpu.memref_slice %arg5[%run_scoped3A_51, %dma_start3A_140] : memref<4x128xi32, #tpu.memory_space<vmem>> -> memref<1x128xi32, #tpu.memory_space<vmem>>
        %dma_start3A_142 = tpu.memref_squeeze %dma_start3A_141 : memref<1x128xi32, #tpu.memory_space<vmem>> -> memref<128xi32, #tpu.memory_space<vmem>>
        %dma_start3A_143 = tpu.memref_slice %arg3[%select_n3A, %add3A_50] : memref<20x16384xi32, #tpu.memory_space<hbm>> -> memref<1x128xi32, #tpu.memory_space<hbm>>
        %dma_start3A_144 = tpu.memref_squeeze %dma_start3A_143 : memref<1x128xi32, #tpu.memory_space<hbm>> -> memref<128xi32, #tpu.memory_space<hbm>>
        tpu.enqueue_dma source(%dma_start3A_144 : memref<128xi32, #tpu.memory_space<hbm>>) target(%dma_start3A_142 : memref<128xi32, #tpu.memory_space<vmem>>) target_semaphore(%run_scoped3A_134 : memref<!tpu.dma_semaphore, #tpu.memory_space<semaphore_mem>>)
        %dma_wait3A_145 = arith.constant 0 : i32
        %dma_wait3A_146 = tpu.memref_slice %arg5[%run_scoped3A_51, %dma_wait3A_145] : memref<4x128xi32, #tpu.memory_space<vmem>> -> memref<1x128xi32, #tpu.memory_space<vmem>>
        %dma_wait3A_147 = tpu.memref_squeeze %dma_wait3A_146 : memref<1x128xi32, #tpu.memory_space<vmem>> -> memref<128xi32, #tpu.memory_space<vmem>>
        %dma_wait3A_148 = tpu.memref_slice %arg3[%select_n3A, %add3A_50] : memref<20x16384xi32, #tpu.memory_space<hbm>> -> memref<1x128xi32, #tpu.memory_space<hbm>>
        %dma_wait3A_149 = tpu.memref_squeeze %dma_wait3A_148 : memref<1x128xi32, #tpu.memory_space<hbm>> -> memref<128xi32, #tpu.memory_space<hbm>>
        %dma_wait3A_150 = arith.constant 0 : i32
        %dma_wait3A_151 = tpu.memref_slice %arg5[%run_scoped3A_51, %dma_wait3A_150] : memref<4x128xi32, #tpu.memory_space<vmem>> -> memref<1x128xi32, #tpu.memory_space<vmem>>
        %dma_wait3A_152 = tpu.memref_squeeze %dma_wait3A_151 : memref<1x128xi32, #tpu.memory_space<vmem>> -> memref<128xi32, #tpu.memory_space<vmem>>
        %dma_wait3A_153 = tpu.memref_slice %arg3[%select_n3A, %add3A_50] : memref<20x16384xi32, #tpu.memory_space<hbm>> -> memref<1x128xi32, #tpu.memory_space<hbm>>
        %dma_wait3A_154 = tpu.memref_squeeze %dma_wait3A_153 : memref<1x128xi32, #tpu.memory_space<hbm>> -> memref<128xi32, #tpu.memory_space<hbm>>
        tpu.wait_dma2 semaphore(%run_scoped3A_134 : memref<!tpu.dma_semaphore, #tpu.memory_space<semaphore_mem>>) src(%dma_wait3A_154 : memref<128xi32, #tpu.memory_space<hbm>>) dst(%dma_wait3A_152 : memref<128xi32, #tpu.memory_space<vmem>>)
        tpu.yield
      }) : () -> ()
      %add3A_52 = arith.constant 384 : i32
      %add3A_53 = arith.addi %mul3A_43, %add3A_52 : i32
      %run_scoped3A_54 = arith.constant 3 : i32
      "tpu.region"() ({
        %run_scoped3A_134 = tpu.sem_alloc : memref<!tpu.dma_semaphore, #tpu.memory_space<semaphore_mem>>
        %dma_start3A_135 = arith.constant 0 : i32
        %dma_start3A_136 = tpu.memref_slice %arg5[%run_scoped3A_54, %dma_start3A_135] : memref<4x128xi32, #tpu.memory_space<vmem>> -> memref<1x128xi32, #tpu.memory_space<vmem>>
        %dma_start3A_137 = tpu.memref_squeeze %dma_start3A_136 : memref<1x128xi32, #tpu.memory_space<vmem>> -> memref<128xi32, #tpu.memory_space<vmem>>
        %dma_start3A_138 = tpu.memref_slice %arg3[%select_n3A, %add3A_53] : memref<20x16384xi32, #tpu.memory_space<hbm>> -> memref<1x128xi32, #tpu.memory_space<hbm>>
        %dma_start3A_139 = tpu.memref_squeeze %dma_start3A_138 : memref<1x128xi32, #tpu.memory_space<hbm>> -> memref<128xi32, #tpu.memory_space<hbm>>
        %dma_start3A_140 = arith.constant 0 : i32
        %dma_start3A_141 = tpu.memref_slice %arg5[%run_scoped3A_54, %dma_start3A_140] : memref<4x128xi32, #tpu.memory_space<vmem>> -> memref<1x128xi32, #tpu.memory_space<vmem>>
        %dma_start3A_142 = tpu.memref_squeeze %dma_start3A_141 : memref<1x128xi32, #tpu.memory_space<vmem>> -> memref<128xi32, #tpu.memory_space<vmem>>
        %dma_start3A_143 = tpu.memref_slice %arg3[%select_n3A, %add3A_53] : memref<20x16384xi32, #tpu.memory_space<hbm>> -> memref<1x128xi32, #tpu.memory_space<hbm>>
        %dma_start3A_144 = tpu.memref_squeeze %dma_start3A_143 : memref<1x128xi32, #tpu.memory_space<hbm>> -> memref<128xi32, #tpu.memory_space<hbm>>
        tpu.enqueue_dma source(%dma_start3A_144 : memref<128xi32, #tpu.memory_space<hbm>>) target(%dma_start3A_142 : memref<128xi32, #tpu.memory_space<vmem>>) target_semaphore(%run_scoped3A_134 : memref<!tpu.dma_semaphore, #tpu.memory_space<semaphore_mem>>)
        %dma_wait3A_145 = arith.constant 0 : i32
        %dma_wait3A_146 = tpu.memref_slice %arg5[%run_scoped3A_54, %dma_wait3A_145] : memref<4x128xi32, #tpu.memory_space<vmem>> -> memref<1x128xi32, #tpu.memory_space<vmem>>
        %dma_wait3A_147 = tpu.memref_squeeze %dma_wait3A_146 : memref<1x128xi32, #tpu.memory_space<vmem>> -> memref<128xi32, #tpu.memory_space<vmem>>
        %dma_wait3A_148 = tpu.memref_slice %arg3[%select_n3A, %add3A_53] : memref<20x16384xi32, #tpu.memory_space<hbm>> -> memref<1x128xi32, #tpu.memory_space<hbm>>
        %dma_wait3A_149 = tpu.memref_squeeze %dma_wait3A_148 : memref<1x128xi32, #tpu.memory_space<hbm>> -> memref<128xi32, #tpu.memory_space<hbm>>
        %dma_wait3A_150 = arith.constant 0 : i32
        %dma_wait3A_151 = tpu.memref_slice %arg5[%run_scoped3A_54, %dma_wait3A_150] : memref<4x128xi32, #tpu.memory_space<vmem>> -> memref<1x128xi32, #tpu.memory_space<vmem>>
        %dma_wait3A_152 = tpu.memref_squeeze %dma_wait3A_151 : memref<1x128xi32, #tpu.memory_space<vmem>> -> memref<128xi32, #tpu.memory_space<vmem>>
        %dma_wait3A_153 = tpu.memref_slice %arg3[%select_n3A, %add3A_53] : memref<20x16384xi32, #tpu.memory_space<hbm>> -> memref<1x128xi32, #tpu.memory_space<hbm>>
        %dma_wait3A_154 = tpu.memref_squeeze %dma_wait3A_153 : memref<1x128xi32, #tpu.memory_space<hbm>> -> memref<128xi32, #tpu.memory_space<hbm>>
        tpu.wait_dma2 semaphore(%run_scoped3A_134 : memref<!tpu.dma_semaphore, #tpu.memory_space<semaphore_mem>>) src(%dma_wait3A_154 : memref<128xi32, #tpu.memory_space<hbm>>) dst(%dma_wait3A_152 : memref<128xi32, #tpu.memory_space<vmem>>)
        tpu.yield
      }) : () -> ()
      %dma_start3A = arith.constant 0 : i32
      %dma_start3A_55 = arith.constant 0 : i32
      %dma_start3A_56 = arith.constant 0 : i32
      %dma_start3A_57 = tpu.memref_slice %arg6[%dma_start3A_55, %dma_start3A_56] : memref<512x128xf32, #tpu.memory_space<vmem>> -> memref<128x128xf32, #tpu.memory_space<vmem>>
      %dma_start3A_58 = arith.constant 0 : i32
      %dma_start3A_59 = tpu.memref_slice %arg5[%dma_start3A, %dma_start3A_58] : memref<4x128xi32, #tpu.memory_space<vmem>> -> memref<1x128xi32, #tpu.memory_space<vmem>>
      %dma_start3A_60 = tpu.memref_squeeze %dma_start3A_59 : memref<1x128xi32, #tpu.memory_space<vmem>> -> memref<128xi32, #tpu.memory_space<vmem>>
      %dma_start3A_61 = arith.constant 0 : i32
      %dma_start3A_62 = arith.constant 0 : i32
      %dma_start3A_63 = tpu.memref_slice %arg2[%dma_start3A_61, %dma_start3A_62] : memref<1000000x128xf32, #tpu.memory_space<hbm>> -> memref<1000000x128xf32, #tpu.memory_space<hbm>>
      tpu.enqueue_indirect_dma source(%dma_start3A_63 : memref<1000000x128xf32, #tpu.memory_space<hbm>>) target(%dma_start3A_57 : memref<128x128xf32, #tpu.memory_space<vmem>>) offsets(%dma_start3A_60 : memref<128xi32, #tpu.memory_space<vmem>>) semaphore(%arg7 : memref<!tpu.dma_semaphore, #tpu.memory_space<semaphore_mem>>)
      %dma_start3A_64 = arith.constant 1 : i32
      %dma_start3A_65 = arith.constant 128 : i32
      %dma_start3A_66 = arith.constant 0 : i32
      %dma_start3A_67 = tpu.memref_slice %arg6[%dma_start3A_65, %dma_start3A_66] : memref<512x128xf32, #tpu.memory_space<vmem>> -> memref<128x128xf32, #tpu.memory_space<vmem>>
      %dma_start3A_68 = arith.constant 0 : i32
      %dma_start3A_69 = tpu.memref_slice %arg5[%dma_start3A_64, %dma_start3A_68] : memref<4x128xi32, #tpu.memory_space<vmem>> -> memref<1x128xi32, #tpu.memory_space<vmem>>
      %dma_start3A_70 = tpu.memref_squeeze %dma_start3A_69 : memref<1x128xi32, #tpu.memory_space<vmem>> -> memref<128xi32, #tpu.memory_space<vmem>>
      %dma_start3A_71 = arith.constant 0 : i32
      %dma_start3A_72 = arith.constant 0 : i32
      %dma_start3A_73 = tpu.memref_slice %arg2[%dma_start3A_71, %dma_start3A_72] : memref<1000000x128xf32, #tpu.memory_space<hbm>> -> memref<1000000x128xf32, #tpu.memory_space<hbm>>
      tpu.enqueue_indirect_dma source(%dma_start3A_73 : memref<1000000x128xf32, #tpu.memory_space<hbm>>) target(%dma_start3A_67 : memref<128x128xf32, #tpu.memory_space<vmem>>) offsets(%dma_start3A_70 : memref<128xi32, #tpu.memory_space<vmem>>) semaphore(%arg7 : memref<!tpu.dma_semaphore, #tpu.memory_space<semaphore_mem>>)
      %dma_start3A_74 = arith.constant 2 : i32
      %dma_start3A_75 = arith.constant 256 : i32
      %dma_start3A_76 = arith.constant 0 : i32
      %dma_start3A_77 = tpu.memref_slice %arg6[%dma_start3A_75, %dma_start3A_76] : memref<512x128xf32, #tpu.memory_space<vmem>> -> memref<128x128xf32, #tpu.memory_space<vmem>>
      %dma_start3A_78 = arith.constant 0 : i32
      %dma_start3A_79 = tpu.memref_slice %arg5[%dma_start3A_74, %dma_start3A_78] : memref<4x128xi32, #tpu.memory_space<vmem>> -> memref<1x128xi32, #tpu.memory_space<vmem>>
      %dma_start3A_80 = tpu.memref_squeeze %dma_start3A_79 : memref<1x128xi32, #tpu.memory_space<vmem>> -> memref<128xi32, #tpu.memory_space<vmem>>
      %dma_start3A_81 = arith.constant 0 : i32
      %dma_start3A_82 = arith.constant 0 : i32
      %dma_start3A_83 = tpu.memref_slice %arg2[%dma_start3A_81, %dma_start3A_82] : memref<1000000x128xf32, #tpu.memory_space<hbm>> -> memref<1000000x128xf32, #tpu.memory_space<hbm>>
      tpu.enqueue_indirect_dma source(%dma_start3A_83 : memref<1000000x128xf32, #tpu.memory_space<hbm>>) target(%dma_start3A_77 : memref<128x128xf32, #tpu.memory_space<vmem>>) offsets(%dma_start3A_80 : memref<128xi32, #tpu.memory_space<vmem>>) semaphore(%arg7 : memref<!tpu.dma_semaphore, #tpu.memory_space<semaphore_mem>>)
      %dma_start3A_84 = arith.constant 3 : i32
      %dma_start3A_85 = arith.constant 384 : i32
      %dma_start3A_86 = arith.constant 0 : i32
      %dma_start3A_87 = tpu.memref_slice %arg6[%dma_start3A_85, %dma_start3A_86] : memref<512x128xf32, #tpu.memory_space<vmem>> -> memref<128x128xf32, #tpu.memory_space<vmem>>
      %dma_start3A_88 = arith.constant 0 : i32
      %dma_start3A_89 = tpu.memref_slice %arg5[%dma_start3A_84, %dma_start3A_88] : memref<4x128xi32, #tpu.memory_space<vmem>> -> memref<1x128xi32, #tpu.memory_space<vmem>>
      %dma_start3A_90 = tpu.memref_squeeze %dma_start3A_89 : memref<1x128xi32, #tpu.memory_space<vmem>> -> memref<128xi32, #tpu.memory_space<vmem>>
      %dma_start3A_91 = arith.constant 0 : i32
      %dma_start3A_92 = arith.constant 0 : i32
      %dma_start3A_93 = tpu.memref_slice %arg2[%dma_start3A_91, %dma_start3A_92] : memref<1000000x128xf32, #tpu.memory_space<hbm>> -> memref<1000000x128xf32, #tpu.memory_space<hbm>>
      tpu.enqueue_indirect_dma source(%dma_start3A_93 : memref<1000000x128xf32, #tpu.memory_space<hbm>>) target(%dma_start3A_87 : memref<128x128xf32, #tpu.memory_space<vmem>>) offsets(%dma_start3A_90 : memref<128xi32, #tpu.memory_space<vmem>>) semaphore(%arg7 : memref<!tpu.dma_semaphore, #tpu.memory_space<semaphore_mem>>)
      %dma_wait3A = arith.constant 0 : i32
      %dma_wait3A_94 = arith.constant 0 : i32
      %dma_wait3A_95 = arith.constant 0 : i32
      %dma_wait3A_96 = tpu.memref_slice %arg6[%dma_wait3A_94, %dma_wait3A_95] : memref<512x128xf32, #tpu.memory_space<vmem>> -> memref<128x128xf32, #tpu.memory_space<vmem>>
      %dma_wait3A_97 = arith.constant 0 : i32
      %dma_wait3A_98 = tpu.memref_slice %arg5[%dma_wait3A, %dma_wait3A_97] : memref<4x128xi32, #tpu.memory_space<vmem>> -> memref<1x128xi32, #tpu.memory_space<vmem>>
      %dma_wait3A_99 = tpu.memref_squeeze %dma_wait3A_98 : memref<1x128xi32, #tpu.memory_space<vmem>> -> memref<128xi32, #tpu.memory_space<vmem>>
      %dma_wait3A_100 = arith.constant 0 : i32
      %dma_wait3A_101 = arith.constant 0 : i32
      %dma_wait3A_102 = tpu.memref_slice %arg2[%dma_wait3A_100, %dma_wait3A_101] : memref<1000000x128xf32, #tpu.memory_space<hbm>> -> memref<1000000x128xf32, #tpu.memory_space<hbm>>
      tpu.wait_indirect_dma semaphore(%arg7 : memref<!tpu.dma_semaphore, #tpu.memory_space<semaphore_mem>>) src(%dma_wait3A_102 : memref<1000000x128xf32, #tpu.memory_space<hbm>>) dst(%dma_wait3A_96 : memref<128x128xf32, #tpu.memory_space<vmem>>)
      %dma_wait3A_103 = arith.constant 1 : i32
      %dma_wait3A_104 = arith.constant 128 : i32
      %dma_wait3A_105 = arith.constant 0 : i32
      %dma_wait3A_106 = tpu.memref_slice %arg6[%dma_wait3A_104, %dma_wait3A_105] : memref<512x128xf32, #tpu.memory_space<vmem>> -> memref<128x128xf32, #tpu.memory_space<vmem>>
      %dma_wait3A_107 = arith.constant 0 : i32
      %dma_wait3A_108 = tpu.memref_slice %arg5[%dma_wait3A_103, %dma_wait3A_107] : memref<4x128xi32, #tpu.memory_space<vmem>> -> memref<1x128xi32, #tpu.memory_space<vmem>>
      %dma_wait3A_109 = tpu.memref_squeeze %dma_wait3A_108 : memref<1x128xi32, #tpu.memory_space<vmem>> -> memref<128xi32, #tpu.memory_space<vmem>>
      %dma_wait3A_110 = arith.constant 0 : i32
      %dma_wait3A_111 = arith.constant 0 : i32
      %dma_wait3A_112 = tpu.memref_slice %arg2[%dma_wait3A_110, %dma_wait3A_111] : memref<1000000x128xf32, #tpu.memory_space<hbm>> -> memref<1000000x128xf32, #tpu.memory_space<hbm>>
      tpu.wait_indirect_dma semaphore(%arg7 : memref<!tpu.dma_semaphore, #tpu.memory_space<semaphore_mem>>) src(%dma_wait3A_112 : memref<1000000x128xf32, #tpu.memory_space<hbm>>) dst(%dma_wait3A_106 : memref<128x128xf32, #tpu.memory_space<vmem>>)
      %dma_wait3A_113 = arith.constant 2 : i32
      %dma_wait3A_114 = arith.constant 256 : i32
      %dma_wait3A_115 = arith.constant 0 : i32
      %dma_wait3A_116 = tpu.memref_slice %arg6[%dma_wait3A_114, %dma_wait3A_115] : memref<512x128xf32, #tpu.memory_space<vmem>> -> memref<128x128xf32, #tpu.memory_space<vmem>>
      %dma_wait3A_117 = arith.constant 0 : i32
      %dma_wait3A_118 = tpu.memref_slice %arg5[%dma_wait3A_113, %dma_wait3A_117] : memref<4x128xi32, #tpu.memory_space<vmem>> -> memref<1x128xi32, #tpu.memory_space<vmem>>
      %dma_wait3A_119 = tpu.memref_squeeze %dma_wait3A_118 : memref<1x128xi32, #tpu.memory_space<vmem>> -> memref<128xi32, #tpu.memory_space<vmem>>
      %dma_wait3A_120 = arith.constant 0 : i32
      %dma_wait3A_121 = arith.constant 0 : i32
      %dma_wait3A_122 = tpu.memref_slice %arg2[%dma_wait3A_120, %dma_wait3A_121] : memref<1000000x128xf32, #tpu.memory_space<hbm>> -> memref<1000000x128xf32, #tpu.memory_space<hbm>>
      tpu.wait_indirect_dma semaphore(%arg7 : memref<!tpu.dma_semaphore, #tpu.memory_space<semaphore_mem>>) src(%dma_wait3A_122 : memref<1000000x128xf32, #tpu.memory_space<hbm>>) dst(%dma_wait3A_116 : memref<128x128xf32, #tpu.memory_space<vmem>>)
      %dma_wait3A_123 = arith.constant 3 : i32
      %dma_wait3A_124 = arith.constant 384 : i32
      %dma_wait3A_125 = arith.constant 0 : i32
      %dma_wait3A_126 = tpu.memref_slice %arg6[%dma_wait3A_124, %dma_wait3A_125] : memref<512x128xf32, #tpu.memory_space<vmem>> -> memref<128x128xf32, #tpu.memory_space<vmem>>
      %dma_wait3A_127 = arith.constant 0 : i32
      %dma_wait3A_128 = tpu.memref_slice %arg5[%dma_wait3A_123, %dma_wait3A_127] : memref<4x128xi32, #tpu.memory_space<vmem>> -> memref<1x128xi32, #tpu.memory_space<vmem>>
      %dma_wait3A_129 = tpu.memref_squeeze %dma_wait3A_128 : memref<1x128xi32, #tpu.memory_space<vmem>> -> memref<128xi32, #tpu.memory_space<vmem>>
      %dma_wait3A_130 = arith.constant 0 : i32
      %dma_wait3A_131 = arith.constant 0 : i32
      %dma_wait3A_132 = tpu.memref_slice %arg2[%dma_wait3A_130, %dma_wait3A_131] : memref<1000000x128xf32, #tpu.memory_space<hbm>> -> memref<1000000x128xf32, #tpu.memory_space<hbm>>
      tpu.wait_indirect_dma semaphore(%arg7 : memref<!tpu.dma_semaphore, #tpu.memory_space<semaphore_mem>>) src(%dma_wait3A_132 : memref<1000000x128xf32, #tpu.memory_space<hbm>>) dst(%dma_wait3A_126 : memref<128x128xf32, #tpu.memory_space<vmem>>)
      "tpu.region"() ({
        %run_scoped3A_134 = tpu.sem_alloc : memref<!tpu.dma_semaphore, #tpu.memory_space<semaphore_mem>>
        %dma_start3A_135 = arith.constant 0 : i32
        %dma_start3A_136 = tpu.memref_slice %arg4[%select_n3A, %mul3A_43, %dma_start3A_135] : memref<20x16384x128xf32, #tpu.memory_space<hbm>> -> memref<1x512x128xf32, #tpu.memory_space<hbm>>
        %dma_start3A_137 = tpu.memref_squeeze %dma_start3A_136 : memref<1x512x128xf32, #tpu.memory_space<hbm>> -> memref<512x128xf32, #tpu.memory_space<hbm>>
        %dma_start3A_138 = arith.constant 0 : i32
        %dma_start3A_139 = tpu.memref_slice %arg4[%select_n3A, %mul3A_43, %dma_start3A_138] : memref<20x16384x128xf32, #tpu.memory_space<hbm>> -> memref<1x512x128xf32, #tpu.memory_space<hbm>>
        %dma_start3A_140 = tpu.memref_squeeze %dma_start3A_139 : memref<1x512x128xf32, #tpu.memory_space<hbm>> -> memref<512x128xf32, #tpu.memory_space<hbm>>
        tpu.enqueue_dma source(%arg6 : memref<512x128xf32, #tpu.memory_space<vmem>>) target(%dma_start3A_140 : memref<512x128xf32, #tpu.memory_space<hbm>>) target_semaphore(%run_scoped3A_134 : memref<!tpu.dma_semaphore, #tpu.memory_space<semaphore_mem>>)
        %dma_wait3A_141 = arith.constant 0 : i32
        %dma_wait3A_142 = tpu.memref_slice %arg4[%select_n3A, %mul3A_43, %dma_wait3A_141] : memref<20x16384x128xf32, #tpu.memory_space<hbm>> -> memref<1x512x128xf32, #tpu.memory_space<hbm>>
        %dma_wait3A_143 = tpu.memref_squeeze %dma_wait3A_142 : memref<1x512x128xf32, #tpu.memory_space<hbm>> -> memref<512x128xf32, #tpu.memory_space<hbm>>
        %dma_wait3A_144 = arith.constant 0 : i32
        %dma_wait3A_145 = tpu.memref_slice %arg4[%select_n3A, %mul3A_43, %dma_wait3A_144] : memref<20x16384x128xf32, #tpu.memory_space<hbm>> -> memref<1x512x128xf32, #tpu.memory_space<hbm>>
        %dma_wait3A_146 = tpu.memref_squeeze %dma_wait3A_145 : memref<1x512x128xf32, #tpu.memory_space<hbm>> -> memref<512x128xf32, #tpu.memory_space<hbm>>
        tpu.wait_dma2 semaphore(%run_scoped3A_134 : memref<!tpu.dma_semaphore, #tpu.memory_space<semaphore_mem>>) src(%arg6 : memref<512x128xf32, #tpu.memory_space<vmem>>) dst(%dma_wait3A_146 : memref<512x128xf32, #tpu.memory_space<hbm>>)
        tpu.yield
      }) : () -> ()
      %scan3A_133 = arith.constant 0 : i32
      scf.yield %scan3A_133 : i32
    }
    %scan3A_6 = arith.constant 20 : i32
    return
  }
}

module attributes {stable_mosaic.version = 14 : i64} {
  func.func @body(%arg0: i32, %arg1: memref<64x2048xf32, #tpu.memory_space<vmem>>, %arg2: memref<2048x128xf32, #tpu.memory_space<vmem>>) attributes {dimension_semantics = [#tpu.dimension_semantics<arbitrary>], iteration_bounds = array<i64: 489>, scalar_prefetch = 0 : i64, scratch_operands = 0 : i64, tpu.core_type = #tpu.core_type<tc>, window_params = [{transform_indices = @transform_0, window_bounds = array<i64: 64, 2048>}, {transform_indices = @transform_1, window_bounds = array<i64: 2048, 128>}]} {
    %get3A = arith.constant 0 : index
    %get3A_0 = arith.constant 0 : index
    %get3A_1 = vector.load %arg1[%get3A, %get3A_0] : memref<64x2048xf32, #tpu.memory_space<vmem>>, vector<64x2048xf32>
    %transpose3A = tpu.transpose %get3A_1, [1, 0] : vector<64x2048xf32> -> vector<2048x64xf32>
    %swap3A = arith.constant 0 : index
    %swap3A_2 = arith.constant 0 : index
    %swap3A_3 = vector.load %arg2[%swap3A, %swap3A_2] : memref<2048x128xf32, #tpu.memory_space<vmem>>, vector<2048x64xf32>
    tpu.vector_store %arg2[%swap3A, %swap3A_2], %transpose3A {strides = array<i32>} : memref<2048x128xf32, #tpu.memory_space<vmem>>, vector<2048x64xf32>,
    %broadcast_in_dim3A = arith.constant 0.000000e+00 : f32
    %broadcast_in_dim3A_4 = vector.broadcast %broadcast_in_dim3A : f32 to vector<2048x64xf32>
    %swap3A_5 = arith.constant 0 : index
    %swap3A_6 = arith.constant 64 : index
    %swap3A_7 = vector.load %arg2[%swap3A_5, %swap3A_6] : memref<2048x128xf32, #tpu.memory_space<vmem>>, vector<2048x64xf32>
    tpu.vector_store %arg2[%swap3A_5, %swap3A_6], %broadcast_in_dim3A_4 {strides = array<i32>} : memref<2048x128xf32, #tpu.memory_space<vmem>>, vector<2048x64xf32>,
    return
  }
  func.func @transform_0(%arg0: i32) -> (i32, i32) {
    %c0_i32 = arith.constant 0 : i32
    %c0_i32_0 = arith.constant 0 : i32
    return %c0_i32, %arg0 : i32, i32
  }
  func.func @transform_1(%arg0: i32) -> (i32, i32) {
    %c0_i32 = arith.constant 0 : i32
    %c0_i32_0 = arith.constant 0 : i32
    return %arg0, %c0_i32 : i32, i32
  }
}

</mosaic_0001>

<sc_bundles>
// kernel: kernel.4.cloned.1.call-start
scs
__scs_entry_jumppad:
0x0: {  	(pc) =	sbr.rel $0x88, $3  }
0x1: {  	(tag) =	ssettag $0x0;
	lr =	simm.s32 $0x1  }
0x2: {  	[smem:$0x3F9F] =	sst lr;
	_ =	strace $0xD0000000  }
0x3: {  	_ = 	snop  }
0x4: {  	_ = 	snop  }
0x5: {  	_ = 	snop  }
0x6: {  	_ = 	snop  }
0x7: {  	_ = 	snop  }
__scs_overlays_trampoline_lowered:
0x8: {  	[smem:$0x3FAE] =	sst s0  }
0x9: {  	[smem:$0x3FAF] =	sst s1  }
0xa: {  	[smem:$0x3FB0] =	sst s2  }
0xb: {  	[smem:$0x3FB1] =	sst s3  }
0xc: {  	[smem:$0x3FB2] =	sst s4  }
0xd: {  	[smem:$0x3FB3] =	sst s5  }
0xe: {  	[smem:$0x3FB4] =	sst s6  }
0xf: {  	[smem:$0x3FB5] =	sst s7  }
0x10: {  	[smem:$0x3FB6] =	sst s8  }
0x11: {  	[smem:$0x3FB7] =	sst s9;
	s0 =	simm.s32 @!p0 $0x0  }
0x12: {  	s1 =	sld [smem:$0x3F9D];
	s0 =	simm.s32 @p0 $0x1  }
0x13: {  	[smem:$0x3FB8] =	sst s0;
	s0 =	simm.s32 @!p1 $0x0  }
0x14: {  	s2 =	sld [smem:$0x3F9C];
	s0 =	simm.s32 @p1 $0x1  }
0x15: {  	[smem:$0x3FB9] =	sst s0;
	s0 =	simm.s32 @!p2 $0x0  }
0x16: {  	s3 =	sld [smem:$0x3FDB];
	s0 =	simm.s32 @p2 $0x1  }
0x17: {  	s4 =	simm.s32 $0x1BF5;
	[smem:$0x3FBB] =	sst s0  }
0x18: {  	s0 =	sld [smem:$0x3F9E];
	_ =	swait.ge [sflag:s4], $0x0  }
0x19: {  	s7 =	sld [smem:$0x3F9F]  }
0x1a: {  	s8 =	sadd.s32 $0xFFFFE003, lr  }
0x1b: {  	s9 =	sadd.s32 $0xFFFFFEF7, lr;
	s5 =	simm.s32 $0xFFFFFFFF;
	p2 =	slt.u32 s8, $0xFFFFF086  }
0x1c: {  	p1 =	slt.u32 s9, $0xF7A;
	s5 =	simm.s32 @!p2 $0x0  }
0x1d: {  	s5 =	simm.s32 @p1 $0x1;
	p0 =	seq.s32 s7, s2  }
0x1e: {  	s7 =	smul.u32 @!p0 $0xF7A, s2;
	p2 =	seq.s32 @!p0 s5, $0x0  }
0x1f: {  	s9 =	smul.u32 $0xF7A, s1;
	s8 =	simm.s32 @!p0 $0x1BF5;
	p2 =	por !p2, p0  }
0x20: {  	[sflag:s8] =	ssyncset.s32 @!p0 $0xFFFFF086;
	s6 =	sadd.s32 @!p0 s3, s7;
	s7 =	simm.s32 @!p0 $0x108  }
0x21: {  	s3 =	sadd.s32 s3, s9;
	s6 =	sadd.s32 @!p0 $0x88, s6;
	s7 =	simm.s32 @p2 $0x1082  }
0x22: {  	[simem:s7], [sflag:s8] =	dma.local @!p0 [hbm:s6], $0xF7A  }
0x23: {  	s9 =	sor.u32 $0xD0000000, s2;
	s6 =	simm.s32 $0x108;
	_ =	swait.ge @!p0 [sflag:s8], $0x0  }
0x24: {  	s3 =	sadd.s32 $0x88, s3;
	s6 =	simm.s32 @!p1 $0x1082;
	[sflag:s4] =	ssyncset.s32 $0xFFFFF086  }
0x25: {  	[simem:s6], [sflag:s4] =	dma.local [hbm:s3], $0xF7A  }
0x26: {  	[smem:$0x3F9F] =	sst s1;
	(tag) =	ssettag s2;
	_ =	strace s9  }
0x27: {  	s1 =	sld [smem:$0x3FAF]  }
0x28: {  	s2 =	sld [smem:$0x3FB0]  }
0x29: {  	s4 =	sld [smem:$0x3FB2]  }
0x2a: {  	p0 =	seq.s32 s5, $0x0;
	s5 =	sld [smem:$0x3FB3]  }
0x2b: {  	s6 =	sld [smem:$0x3FB4]  }
0x2c: {  	s7 =	sld [smem:$0x3FB5]  }
0x2d: {  	s3 =	simm.s32 $0x108;
	s8 =	sld [smem:$0x3FB6]  }
0x2e: {  	s3 =	simm.s32 @!p0 $0x1082;
	s9 =	sld [smem:$0x3FB7]  }
0x2f: {  	lr =	sadd.s32 s0, s3;
	s0 =	sld [smem:$0x3FAE]  }
0x30: {  	s3 =	sld [smem:$0x3FB1]  }
0x31: {  	[smem:$0x3FBA] =	sst s10  }
0x32: {  	s10 =	sld [smem:$0x3FB8];
	_ =	sdelay $0x3  }
0x33: {  	p0 =	seq.s32 s10, $0x1;
	s10 =	sld [smem:$0x3FBA];
	_ =	sdelay $0x3  }
0x34: {  	[smem:$0x3FBA] =	sst s10  }
0x35: {  	s10 =	sld [smem:$0x3FB9];
	_ =	sdelay $0x3  }
0x36: {  	p1 =	seq.s32 s10, $0x1;
	s10 =	sld [smem:$0x3FBA];
	_ =	sdelay $0x3  }
0x37: {  	[smem:$0x3FBA] =	sst s10  }
0x38: {  	s10 =	sld [smem:$0x3FBB]  }
0x39: {  	_ = 	snop;
	(pc) =	sbr.ind lr, $3  }
0x3a: {  	_ = 	snop  }
0x3b: {  	_ = 	snop  }
0x3c: {  	p2 =	seq.s32 s10, $0x1;
	s10 =	sld [smem:$0x3FBA]  }
0x3d: {  	_ =	shalt  }
0x3e: {  	_ =	shalt  }
0x3f: {  	_ =	shalt  }
0x40: {  	_ =	shalt  }
0x41: {  	_ =	shalt  }
0x42: {  	_ =	shalt  }
0x43: {  	_ =	shalt  }
0x44: {  	_ =	shalt  }
0x45: {  	_ =	shalt  }
0x46: {  	_ =	shalt  }
0x47: {  	_ =	shalt  }
0x48: {  	_ =	shalt  }
0x49: {  	_ =	shalt  }
0x4a: {  	_ =	shalt  }
0x4b: {  	_ =	shalt  }
0x4c: {  	_ =	shalt  }
0x4d: {  	_ =	shalt  }
0x4e: {  	_ =	shalt  }
0x4f: {  	_ =	shalt  }
0x50: {  	_ =	shalt  }
0x51: {  	_ =	shalt  }
0x52: {  	_ =	shalt  }
0x53: {  	_ =	shalt  }
0x54: {  	_ =	shalt  }
0x55: {  	_ =	shalt  }
0x56: {  	_ =	shalt  }
0x57: {  	_ =	shalt  }
0x58: {  	_ =	shalt  }
0x59: {  	_ =	shalt  }
0x5a: {  	_ =	shalt  }
0x5b: {  	_ =	shalt  }
0x5c: {  	_ =	shalt  }
0x5d: {  	_ =	shalt  }
0x5e: {  	_ =	shalt  }
0x5f: {  	_ =	shalt  }
0x60: {  	_ =	shalt  }
0x61: {  	_ =	shalt  }
0x62: {  	_ =	shalt  }
0x63: {  	_ =	shalt  }
0x64: {  	_ =	shalt  }
0x65: {  	_ =	shalt  }
0x66: {  	_ =	shalt  }
0x67: {  	_ =	shalt  }
0x68: {  	_ =	shalt  }
0x69: {  	_ =	shalt  }
0x6a: {  	_ =	shalt  }
0x6b: {  	_ =	shalt  }
0x6c: {  	_ =	shalt  }
0x6d: {  	_ =	shalt  }
0x6e: {  	_ =	shalt  }
0x6f: {  	_ =	shalt  }
0x70: {  	_ =	shalt  }
0x71: {  	_ =	shalt  }
0x72: {  	_ =	shalt  }
0x73: {  	_ =	shalt  }
0x74: {  	_ =	shalt  }
0x75: {  	_ =	shalt  }
0x76: {  	_ =	shalt  }
0x77: {  	_ =	shalt  }
0x78: {  	_ =	shalt  }
0x79: {  	_ =	shalt  }
0x7a: {  	_ =	shalt  }
0x7b: {  	_ =	shalt  }
0x7c: {  	_ =	shalt  }
0x7d: {  	_ =	shalt  }
0x7e: {  	_ =	shalt  }
0x7f: {  	_ =	shalt  }
0x80: {  	_ =	shalt  }
0x81: {  	_ =	shalt  }
0x82: {  	_ =	shalt  }
0x83: {  	_ =	shalt  }
0x84: {  	_ =	shalt  }
0x85: {  	_ =	shalt  }
0x86: {  	_ =	shalt  }
0x87: {  	_ =	shalt  }
.Lfunc_end0:
.L_simem_size_0:
called_computation_lowered:
.L_overlay_start_0:
0x88: {  	s2 =	sld [smem:$0x3FD9]  }
0x89: {  	s3 =	sld [smem:$0x3FFE];
	_ =	sdelay $0x1  }
0x8a: {  	s1 =	srdreg.scid  }
0x8b: {  	s0 =	sand.u32 $0x1, s1  }
0x8c: {  	s17 =	sshll.u32 s0, $0xA;
	s2 =	sadd.s32 s3, s2  }
0x8d: {  	s2 =	sadd.s32 s2, s17  }
0x8e: {  	[smem:$0x3FC6] =	sst s2  }
0x8f: {  	_ = 	snop  }
0x90: {  	s2 =	sld [smem:$0x3FC8]  }
0x91: {  	s18 =	sld [smem:$0x3FD0];
	(tm) =	ssettm $0x1  }
0x92: {  	s4 =	sld [smem:$0x3FFB];
	_ =	sdelay $0x3  }
0x93: {  	_ =	strace s4  }
0x94: {  	s4 =	sld [smem:$0x3FFC];
	_ =	sdelay $0x3  }
0x95: {  	_ =	strace s4  }
0x96: {  	s4 =	sld [smem:$0x3FFD];
	_ =	sdelay $0x3  }
0x97: {  	_ =	strace s4  }
0x98: {  	_ =	strace $0x8FFFFFFF  }
0x99: {  	s19 =	sld [smem:$0x3FDB];
	_ =	sdelay $0x1  }
0x9a: {  	s5 =	simm.s32 $_scs_section_size  }
0x9b: {  	s6 =	simm.s32 $_size__tile_overlayer_lowered;
	s7 =	simm.s32 $_tile_overlayer_lowered  }
0x9c: {  	s22 =	simm.s32 $0x1BFF;
	s21 =	sshll.u32 s7, $0x1;
	s4 =	sadd.s32 s5, s19  }
0x9d: {  	s8 =	simm.s32 $0x0;
	s20 =	sshll.u32 s6, $0x1;
	s6 =	sadd.s32 s21, s4  }
0x9e: {  	[timem:s8], [sflag:s22] =	dma.local [hbm:s6], s20  }
0x9f: {  	_ =	swait.ge [sflag:s22], s20  }
0xa0: {  	s5 =	ssub.s32 $0x0, s20;
	[sflag:s22] =	ssyncset.done $0x0  }
0xa1: {  	[sflag:s22] =	ssyncadd.s32 s5;
	_ =	sdelay $0x1  }
0xa2: {  	s23 =	simm.s32 $0x1B8B  }
0xa3: {  	_ =	swait.ge [sflag:s23], $0x1  }
0xa4: {  	[sflag:s23] =	ssyncset.done $0x0  }
0xa5: {  	s25 =	simm.s32 $0x1B8E;
	s24 =	sld [smem:$0x3FFE];
	[sflag:s23] =	ssyncadd.s32 $0xFFFFFFFF  }
0xa6: {  	s26 =	simm.s32 $execute0_lowered;
	[smem:$0x3FD2] =	sst s25  }
0xa7: {  	s6 =	sshll.u32 s26, $0x1;
	_ =	strace $0x80000046;
	[dreg:$0x1] =	wrdreg $0xFFFFFFFF  }
0xa8: {  	s28 =	simm.s32 $_size_execute0_lowered;
	s4 =	sadd.s32 s4, s6;
	[dreg:$0x0] =	wrdreg $0x0  }
0xa9: {  	s6 =	sshll.u32 s28, $0x1;
	[dreg:$0x2] =	wrdreg s4  }
0xaa: {  	[dreg:$0x3] =	wrdreg s6  }
0xab: {  	[dreg:$0x4] =	wrdreg $0xC0  }
0xac: {  	_ =	task [dreg:s8], $0x5FFFF  }
0xad: {  	[dreg:$0x1] =	wrdreg $0xFFFFFFFF  }
0xae: {  	[dreg:$0x0] =	wrdreg $0x60  }
0xaf: {  	[dreg:$0x2] =	wrdreg s24  }
0xb0: {  	[dreg:$0x3] =	wrdreg s2  }
0xb1: {  	[dreg:$0x4] =	wrdreg s18  }
0xb2: {  	[dreg:$0x5] =	wrdreg $0x9  }
0xb3: {  	_ =	task.clear_ibuf [dreg:s8], $0x6FFFF;
	_ =	strace $0x90000046  }
0xb4: {  	s29 =	simm.s32 $0x9;
	_ =	strace $0x80000048  }
0xb5: {  	_ =	swait.ge [sflag:s29], $0x1  }
0xb6: {  	[sflag:s29] =	ssyncadd.s32 $0xFFFFFFFF  }
0xb7: {  	_ =	strace $0x90000048  }
0xb8: {  	_ =	sfence  }
0xb9: {  	s30 =	sld [smem:$0x0];
	_ =	sdelay $0x2  }
0xba: {  	s31 =	sshll.u32 s1, $0xD;
	s1 =	sshrl.u32 s1, $0x2  }
0xbb: {  	s3 =	sand.u32 $0x4000, s31;
	s1 =	sadd.s32 s1, s30  }
0xbc: {  	s0 =	sor.u32 s3, s0;
	s1 =	sshll.u32 s1, $0x11  }
0xbd: {  	s0 =	sor.u32 s1, s0  }
0xbe: {  	s0 =	sadd.s32 $0x8F2B, s0  }
0xbf: {  	[sflag:s0] =	ssyncadd.remote.s32 $0x1  }
0xc0: {  	_ =	sfence.sel $0xFFFF  }
0xc1: {  	[dreg:$0x0] =	wrdreg $0xFFFFFFFF;
	(pc) =	sbr.abs _section_cstart, $3  }
0xc2: {  	[dreg:$0x1] =	wrdreg $0xFFFFFFFF  }
0xc3: {  	_ =	task.clear_ibuf [dreg:s8], $0x2FFFF;
	_ =	strace $0x9FFFFFFF  }
0xc4: {  	(tm) =	ssettm $0x7FFFFFFF  }
0xc5: {  	_ =	shalt  }
tec
execute0_lowered:
.L_overlay_start_1:
0x0: {  	(tag) =	ssettag $0x1  }
0x1: {  	s4 =	rddreg [dreg:$0x0]  }
0x2: {  	s0 =	rddreg [dreg:$0x1]  }
0x3: {  	s2 =	rddreg [dreg:$0x2]  }
0x4: {  	s3 =	srdreg.scid;
	s1 =	stileid.u32;
	s11 =	simm.s32 $0x200  }
0x5: {  	s12 =	simm.s32 $0x4200;
	s13 =	simm.s32 $0x8200;
	s14 =	simm.s32 $0xC200  }
0x6: {  	s15 =	simm.s32 $0x1;
	s16 =	simm.s32 $0x0;
	s6 =	smul.u32 $0x5000, s1  }
0x7: {  	[dreg:$0x5] =	wrdreg s0;
	s5 =	sand.u32 $0x1, s3;
	s8 =	smul.u32 $0x28, s1  }
0x8: {  	s0 =	rddreg [dreg:$0x3];
	s3 =	simm.s32 $0x0;
	s10 =	smul.u32 $0x14, s5  }
0x9: {  	s7 =	ssub.s32 $0x2, s5;
	[smem:$0x7FF] =	sst s3;
	s30 =	smul.u32 $0x2800, s5  }
0xa: {  	s4 =	sadd.s32 $0x400, s4;
	s9 =	sshrl.u32 s7, $0x1;
	_ =	strace $0x80000047  }
0xb: {  	s7 =	ssub.s32 s7, s9;
	s31 =	sadd.s32 s10, s8;
	s6 =	sadd.s32 s30, s6  }
0xc: {  	s8 =	simm.s32 $0x80;
	s9 =	simm.s32 $0x100;
	s10 =	simm.s32 $0x180  }
0xd: {  	s5 =	smax.u32 s7, $0x1;
	[dreg:$0x4] =	wrdreg s31;
	s7 =	simm.s32 $0x2  }
.LBB2_1:
0xe: {  	s17 =	rddreg [dreg:$0x4]  }
0xf: {  	s17 =	sadd.s32 $0x0, s17  }
0x10: {  	s18 =	sand.u32 $0x3E00, s6;
	s19 =	sshll.u32 s17, $0x9  }
0x11: {  	s21 =	sshll.u32 s18, $0x3;
	s20 =	sshll.u32 s17, $0x2;
	s19 =	sand.u32 $0x7FFE0000, s19  }
0x12: {  	s20 =	sand.u32 $0x380, s20;
	s19 =	sor.u32 s21, s19  }
0x13: {  	s19 =	sor.u32 s20, s19  }
0x14: {  	s29 =	rddreg [dreg:$0x5];
	s19 =	sshrl.u32 s19, $0x3  }
0x15: {  	s19 =	sadd.s32 s29, s19  }
0x16: {  	[tilespmem:s3], [sflag:$0x2] =	stream.linear.gather [hbm4b:s19+s3], $0x80, $0x38;
	[tilespmem:$0x10200] =	vst v63  }
0x17: {  	_ =	swait.ge [sflag:s7], $0x80  }
0x18: {  	[sflag:s7] =	ssyncset.done $0x0  }
0x19: {  	s30 =	sadd.s32 $0x80, s19;
	[sflag:s7] =	ssyncadd.s32 $0xFFFFFF80  }
0x1a: {  	[tilespmem:s8], [sflag:$0x2] =	stream.linear.gather [hbm4b:s30+s3], $0x80, $0x38;
	[tilespmem:$0x10200] =	vst v63  }
0x1b: {  	_ =	swait.ge [sflag:s7], $0x80  }
0x1c: {  	[sflag:s7] =	ssyncset.done $0x0  }
0x1d: {  	s31 =	sadd.s32 $0x100, s19;
	[sflag:s7] =	ssyncadd.s32 $0xFFFFFF80  }
0x1e: {  	[tilespmem:s9], [sflag:$0x2] =	stream.linear.gather [hbm4b:s31+s3], $0x80, $0x38;
	[tilespmem:$0x10200] =	vst v63  }
0x1f: {  	_ =	swait.ge [sflag:s7], $0x80  }
0x20: {  	[sflag:s7] =	ssyncset.done $0x0  }
0x21: {  	s19 =	sadd.s32 $0x180, s19;
	[sflag:s7] =	ssyncadd.s32 $0xFFFFFF80  }
0x22: {  	[tilespmem:s10], [sflag:$0x2] =	stream.linear.gather [hbm4b:s19+s3], $0x80, $0x38;
	[tilespmem:$0x10200] =	vst v63  }
0x23: {  	_ =	swait.ge [sflag:s7], $0x80  }
0x24: {  	[sflag:s7] =	ssyncset.done $0x0  }
0x25: {  	[sflag:s7] =	ssyncadd.s32 $0xFFFFFF80  }
0x26: {  	[tilespmem:s11], [sflag:$0x1] =	stream.indirect.gather [hbm4b:s4+s8], $0x80, s3, s8, $0xb8;
	[tilespmem:$0x10200] =	vst v63  }
0x27: {  	_ = 	snop  }
0x28: {  	[tilespmem:s12], [sflag:$0x1] =	stream.indirect.gather [hbm4b:s4+s8], $0x80, s8, s8, $0xb8;
	[tilespmem:$0x10200] =	vst v63  }
0x29: {  	_ = 	snop  }
0x2a: {  	[tilespmem:s13], [sflag:$0x1] =	stream.indirect.gather [hbm4b:s4+s8], $0x80, s9, s8, $0xb8;
	[tilespmem:$0x10200] =	vst v63  }
0x2b: {  	_ = 	snop  }
0x2c: {  	[tilespmem:s14], [sflag:$0x1] =	stream.indirect.gather [hbm4b:s4+s8], $0x80, s10, s8, $0xb8;
	[tilespmem:$0x10200] =	vst v63  }
0x2d: {  	_ =	swait.ge [sflag:s15], $0x4000  }
0x2e: {  	[sflag:s15] =	ssyncset.done $0x0  }
0x2f: {  	[sflag:s15] =	ssyncadd.s32 $0xFFFFC000  }
0x30: {  	_ =	swait.ge [sflag:s15], $0x4000  }
0x31: {  	[sflag:s15] =	ssyncset.done $0x0  }
0x32: {  	[sflag:s15] =	ssyncadd.s32 $0xFFFFC000  }
0x33: {  	_ =	swait.ge [sflag:s15], $0x4000  }
0x34: {  	[sflag:s15] =	ssyncset.done $0x0  }
0x35: {  	s17 =	sshll.u32 s17, $0xD;
	[sflag:s15] =	ssyncadd.s32 $0xFFFFC000  }
0x36: {  	s17 =	sand.u32 $0xFFFC0000, s17;
	_ =	swait.ge [sflag:s15], $0x4000  }
0x37: {  	s18 =	sshll.u32 s18, $0x4;
	s17 =	sadd.s32 s2, s17;
	[sflag:s15] =	ssyncset.done $0x0  }
0x38: {  	s17 =	sadd.s32 s18, s17;
	[sflag:s15] =	ssyncadd.s32 $0xFFFFC000  }
0x39: {  	[hbm4b:s17+s3] =	stream.linear.scatter [tilespmem:s11], [sflag:$0x2], $0x10000, $0x38;
	[tilespmem:$0x10200] =	vst v63  }
0x3a: {  	s18 =	simm.s32 $0x2;
	s19 =	smov.u32 s6;
	_ =	swait.ge [sflag:s7], $0x10000  }
0x3b: {  	s17 =	simm.s32 $0x1;
	s20 =	rddreg [dreg:$0x4];
	[sflag:s7] =	ssyncset.done $0x0  }
.LBB2_2:
0x3c: {  	s19 =	sadd.s32 $0x200, s19;
	s21 =	smov.u32 s18;
	s22 =	sadd.s32 s17, s20  }
0x3d: {  	s20 =	sand.u32 $0x3E00, s19;
	s17 =	smov.u32 s21;
	s25 =	sshll.u32 s22, $0x9  }
0x3e: {  	s23 =	sshll.u32 s22, $0x2;
	s21 =	sand.u32 $0x7FFE0000, s25;
	s24 =	sshll.u32 s20, $0x3  }
0x3f: {  	s23 =	sand.u32 $0x380, s23;
	s21 =	sor.u32 s24, s21  }
0x40: {  	s22 =	sshll.u32 s22, $0xD;
	s23 =	sor.u32 s23, s21  }
0x41: {  	s26 =	rddreg [dreg:$0x5];
	s22 =	sand.u32 $0xFFFC0000, s22;
	s29 =	sshrl.u32 s23, $0x3  }
0x42: {  	[sflag:s7] =	ssyncadd.s32 $0xFFFF0000;
	s28 =	sadd.s32 s2, s22;
	s22 =	sadd.s32 s26, s29  }
0x43: {  	[tilespmem:s3], [sflag:$0x2] =	stream.linear.gather [hbm4b:s22+s3], $0x80, $0x38;
	[tilespmem:$0x10200] =	vst v63  }
0x44: {  	_ =	swait.ge [sflag:s7], $0x80  }
0x45: {  	[sflag:s7] =	ssyncset.done $0x0  }
0x46: {  	s30 =	sadd.s32 $0x80, s22;
	[sflag:s7] =	ssyncadd.s32 $0xFFFFFF80  }
0x47: {  	[tilespmem:s8], [sflag:$0x2] =	stream.linear.gather [hbm4b:s30+s3], $0x80, $0x38;
	[tilespmem:$0x10200] =	vst v63  }
0x48: {  	_ =	swait.ge [sflag:s7], $0x80  }
0x49: {  	[sflag:s7] =	ssyncset.done $0x0  }
0x4a: {  	s31 =	sadd.s32 $0x100, s22;
	[sflag:s7] =	ssyncadd.s32 $0xFFFFFF80  }
0x4b: {  	[tilespmem:s9], [sflag:$0x2] =	stream.linear.gather [hbm4b:s31+s3], $0x80, $0x38;
	[tilespmem:$0x10200] =	vst v63  }
0x4c: {  	_ =	swait.ge [sflag:s7], $0x80  }
0x4d: {  	[sflag:s7] =	ssyncset.done $0x0  }
0x4e: {  	s22 =	sadd.s32 $0x180, s22;
	[sflag:s7] =	ssyncadd.s32 $0xFFFFFF80  }
0x4f: {  	[tilespmem:s10], [sflag:$0x2] =	stream.linear.gather [hbm4b:s22+s3], $0x80, $0x38;
	[tilespmem:$0x10200] =	vst v63  }
0x50: {  	_ =	swait.ge [sflag:s7], $0x80  }
0x51: {  	[sflag:s7] =	ssyncset.done $0x0  }
0x52: {  	[sflag:s7] =	ssyncadd.s32 $0xFFFFFF80  }
0x53: {  	[tilespmem:s11], [sflag:$0x1] =	stream.indirect.gather [hbm4b:s4+s8], $0x80, s3, s8, $0xb8;
	[tilespmem:$0x10200] =	vst v63  }
0x54: {  	_ = 	snop  }
0x55: {  	[tilespmem:s12], [sflag:$0x1] =	stream.indirect.gather [hbm4b:s4+s8], $0x80, s8, s8, $0xb8;
	[tilespmem:$0x10200] =	vst v63  }
0x56: {  	_ = 	snop  }
0x57: {  	[tilespmem:s13], [sflag:$0x1] =	stream.indirect.gather [hbm4b:s4+s8], $0x80, s9, s8, $0xb8;
	[tilespmem:$0x10200] =	vst v63  }
0x58: {  	_ = 	snop  }
0x59: {  	[tilespmem:s14], [sflag:$0x1] =	stream.indirect.gather [hbm4b:s4+s8], $0x80, s10, s8, $0xb8;
	[tilespmem:$0x10200] =	vst v63  }
0x5a: {  	_ =	swait.ge [sflag:s15], $0x4000  }
0x5b: {  	[sflag:s15] =	ssyncset.done $0x0  }
0x5c: {  	[sflag:s15] =	ssyncadd.s32 $0xFFFFC000  }
0x5d: {  	_ =	swait.ge [sflag:s15], $0x4000  }
0x5e: {  	[sflag:s15] =	ssyncset.done $0x0  }
0x5f: {  	[sflag:s15] =	ssyncadd.s32 $0xFFFFC000  }
0x60: {  	_ =	swait.ge [sflag:s15], $0x4000  }
0x61: {  	[sflag:s15] =	ssyncset.done $0x0  }
0x62: {  	[sflag:s15] =	ssyncadd.s32 $0xFFFFC000  }
0x63: {  	p0 =	sne.s32 s18, $0x13;
	_ =	swait.ge [sflag:s15], $0x4000  }
.Ltmp0:
0x64: {  	s20 =	sshll.u32 s20, $0x4;
	[sflag:s15] =	ssyncset.done $0x0;
	(pc) =	sbr.rel @p0 .LBB2_2-.Ltmp0, $4  }
0x65: {  	s20 =	sadd.s32 s20, s28;
	[sflag:s15] =	ssyncadd.s32 $0xFFFFC000  }
0x66: {  	[hbm4b:s20+s3] =	stream.linear.scatter [tilespmem:s11], [sflag:$0x2], $0x10000, $0x38;
	[tilespmem:$0x10200] =	vst v63  }
0x67: {  	_ =	swait.ge [sflag:s7], $0x10000  }
0x68: {  	s18 =	sadd.s32 $0x1, s18;
	s20 =	rddreg [dreg:$0x4];
	[sflag:s7] =	ssyncset.done $0x0  }
0x69: {  	s18 =	sadd.s32 $0x200, s19;
	s17 =	sadd.s32 s17, s20  }
0x6a: {  	s18 =	sand.u32 $0x3E00, s18;
	s28 =	sshll.u32 s17, $0x9  }
0x6b: {  	s20 =	sshll.u32 s17, $0x2;
	s19 =	sand.u32 $0x7FFE0000, s28;
	s21 =	sshll.u32 s18, $0x3  }
0x6c: {  	s20 =	sand.u32 $0x380, s20;
	s19 =	sor.u32 s21, s19  }
0x6d: {  	s19 =	sor.u32 s20, s19  }
0x6e: {  	s29 =	rddreg [dreg:$0x5];
	s19 =	sshrl.u32 s19, $0x3  }
0x6f: {  	[sflag:s7] =	ssyncadd.s32 $0xFFFF0000;
	s19 =	sadd.s32 s29, s19  }
0x70: {  	[tilespmem:s3], [sflag:$0x2] =	stream.linear.gather [hbm4b:s19+s3], $0x80, $0x38;
	[tilespmem:$0x10200] =	vst v63  }
0x71: {  	_ =	swait.ge [sflag:s7], $0x80  }
0x72: {  	[sflag:s7] =	ssyncset.done $0x0  }
0x73: {  	s30 =	sadd.s32 $0x80, s19;
	[sflag:s7] =	ssyncadd.s32 $0xFFFFFF80  }
0x74: {  	[tilespmem:s8], [sflag:$0x2] =	stream.linear.gather [hbm4b:s30+s3], $0x80, $0x38;
	[tilespmem:$0x10200] =	vst v63  }
0x75: {  	_ =	swait.ge [sflag:s7], $0x80  }
0x76: {  	[sflag:s7] =	ssyncset.done $0x0  }
0x77: {  	s31 =	sadd.s32 $0x100, s19;
	[sflag:s7] =	ssyncadd.s32 $0xFFFFFF80  }
0x78: {  	[tilespmem:s9], [sflag:$0x2] =	stream.linear.gather [hbm4b:s31+s3], $0x80, $0x38;
	[tilespmem:$0x10200] =	vst v63  }
0x79: {  	_ =	swait.ge [sflag:s7], $0x80  }
0x7a: {  	[sflag:s7] =	ssyncset.done $0x0  }
0x7b: {  	s19 =	sadd.s32 $0x180, s19;
	[sflag:s7] =	ssyncadd.s32 $0xFFFFFF80  }
0x7c: {  	[tilespmem:s10], [sflag:$0x2] =	stream.linear.gather [hbm4b:s19+s3], $0x80, $0x38;
	[tilespmem:$0x10200] =	vst v63  }
0x7d: {  	_ =	swait.ge [sflag:s7], $0x80  }
0x7e: {  	[sflag:s7] =	ssyncset.done $0x0  }
0x7f: {  	[sflag:s7] =	ssyncadd.s32 $0xFFFFFF80  }
0x80: {  	[tilespmem:s11], [sflag:$0x1] =	stream.indirect.gather [hbm4b:s4+s8], $0x80, s3, s8, $0xb8;
	[tilespmem:$0x10200] =	vst v63  }
0x81: {  	_ = 	snop  }
0x82: {  	[tilespmem:s12], [sflag:$0x1] =	stream.indirect.gather [hbm4b:s4+s8], $0x80, s8, s8, $0xb8;
	[tilespmem:$0x10200] =	vst v63  }
0x83: {  	_ = 	snop  }
0x84: {  	[tilespmem:s13], [sflag:$0x1] =	stream.indirect.gather [hbm4b:s4+s8], $0x80, s9, s8, $0xb8;
	[tilespmem:$0x10200] =	vst v63  }
0x85: {  	_ = 	snop  }
0x86: {  	[tilespmem:s14], [sflag:$0x1] =	stream.indirect.gather [hbm4b:s4+s8], $0x80, s10, s8, $0xb8;
	[tilespmem:$0x10200] =	vst v63  }
0x87: {  	_ =	swait.ge [sflag:s15], $0x4000  }
0x88: {  	[sflag:s15] =	ssyncset.done $0x0  }
0x89: {  	[sflag:s15] =	ssyncadd.s32 $0xFFFFC000  }
0x8a: {  	_ =	swait.ge [sflag:s15], $0x4000  }
0x8b: {  	[sflag:s15] =	ssyncset.done $0x0  }
0x8c: {  	[sflag:s15] =	ssyncadd.s32 $0xFFFFC000  }
0x8d: {  	_ =	swait.ge [sflag:s15], $0x4000  }
0x8e: {  	[sflag:s15] =	ssyncset.done $0x0  }
0x8f: {  	s16 =	sadd.s32 $0x1, s16;
	s17 =	sshll.u32 s17, $0xD;
	[sflag:s15] =	ssyncadd.s32 $0xFFFFC000  }
0x90: {  	p0 =	sne.s32 s16, s5;
	s17 =	sand.u32 $0xFFFC0000, s17;
	_ =	swait.ge [sflag:s15], $0x4000  }
0x91: {  	s18 =	sshll.u32 s18, $0x4;
	s17 =	sadd.s32 s2, s17;
	[sflag:s15] =	ssyncset.done $0x0  }
.Ltmp1:
0x92: {  	s17 =	sadd.s32 s18, s17;
	[sflag:s15] =	ssyncadd.s32 $0xFFFFC000;
	(pc) =	sbr.rel @p0 .LBB2_1-.Ltmp1, $4  }
0x93: {  	[hbm4b:s17+s3] =	stream.linear.scatter [tilespmem:s11], [sflag:$0x2], $0x10000, $0x38;
	[tilespmem:$0x10200] =	vst v63  }
0x94: {  	_ =	swait.ge [sflag:s7], $0x10000  }
0x95: {  	[sflag:s7] =	ssyncset.done $0x0  }
0x96: {  	[sflag:s7] =	ssyncadd.s32 $0xFFFF0000  }
0x97: {  	_ =	sfence.sel $0x180000  }
0x98: {  	[bflag:$0x0] =	sbarrier.arrive $0xFFFF  }
0x99: {  	p0 =	sne.s32 s1, $0x0;
	_ =	strace $0x90000047  }
0x9a: {  	s0 =	sadd.s32 @!p0 $0x100000, s0;
	[bflag:$0x2] =	sbarrier.arrive $0xFFFF  }
0x9b: {  	[sflag:s0] =	ssyncadd.tile.s32 @!p0 $0x1;
	_ =	shalt  }
.Lfunc_end2:
_tile_overlayer_lowered:
.L_overlay_start_2:
0x9c: {  	(tag) =	ssettag $0x2  }
0x9d: {  	s0 =	rddreg [dreg:$0x0];
	s2 =	stileid.u32  }
0x9e: {  	s1 =	rddreg [dreg:$0x1];
	p0 =	sne.s32 s2, $0x0  }
0x9f: {  	s3 =	rddreg [dreg:$0x2];
	[bflag:$0x3] =	sbarrier.arrive $0xFFFF;
	s2 =	simm.s32 @!p0 $0x1C02  }
0xa0: {  	[timem:s3], [sflag:s2] =	dma.local @!p0 [hbm:s0], s1  }
0xa1: {  	s0 =	simm.s32 @!p0 $0x2  }
0xa2: {  	_ =	swait.ge @!p0 [sflag:s0], s1  }
0xa3: {  	s1 =	ssub.s32 @!p0 $0x0, s1;
	[sflag:s0] =	ssyncset.done @!p0 $0x0  }
0xa4: {  	[sflag:s0] =	ssyncadd.s32 @!p0 s1  }
0xa5: {  	[bflag:$0x3] =	sbarrier.arrive $0xFFFF  }
0xa6: {  	_ =	shalt  }

</sc_bundles>
